<compile_context>
chip_gen: v7x
topology: tpu7x:2x2x1
jax: 0.10.2.dev20260603
libtpu: 0.0.44.dev20260713+nightly
codegen_flags: <defaults>
</compile_context>

<pallas_src>
import functools

import jax
import jax.numpy as jnp
from jax import lax
from jax.experimental import pallas as pl
from jax.experimental.pallas import tpu as pltpu
from jax.experimental.pallas import tpu_sc as plsc

V = 8192
H = 1024
KD = 256
NH = 16
KVH = 4
G = 4
HD = 64
I = 4096
B = 1
S = 2048
TOPK = 8
L = 2

_CP = pltpu.CompilerParams(vmem_limit_bytes=110 * 1024 * 1024)
_BF = jnp.bfloat16


def _sc_gather(table, ids):
    info = plsc.get_sparse_core_info()
    nw = info.num_cores * info.num_subcores
    b_per_w = S // nw
    mesh = plsc.VectorSubcoreMesh(core_axis_name="c", subcore_axis_name="s")

    @functools.partial(
        pl.kernel,
        mesh=mesh,
        out_type=jax.ShapeDtypeStruct((S, H), jnp.float32),
        scratch_types=[
            pltpu.VMEM((b_per_w,), jnp.int32),
            pltpu.VMEM((b_per_w, H), jnp.float32),
            pltpu.SemaphoreType.DMA,
        ],
    )
    def gather_kernel(table_hbm, idx_hbm, out_hbm, idx_v, rows_v, sem):
        wid = lax.axis_index("s") * info.num_cores + lax.axis_index("c")
        base = wid * b_per_w
        pltpu.sync_copy(idx_hbm.at[pl.ds(base, b_per_w)], idx_v)
        pltpu.async_copy(table_hbm.at[idx_v], rows_v, sem).wait()
        pltpu.sync_copy(rows_v, out_hbm.at[pl.ds(base, b_per_w)])

    return gather_kernel(table, ids)


def _dot_t(x, w):
    return lax.dot_general(x.astype(_BF), w.astype(_BF),
                           (((1,), (1,)), ((), ())),
                           preferred_element_type=jnp.float32)


_TBQ = 256


def _qkv_body(x_ref, wq_ref, wk_ref, wv_ref, q_ref, k_ref, v_ref):
    x = x_ref[...]
    q_ref[...] = _dot_t(x, wq_ref[...])
    k_ref[...] = _dot_t(x, wk_ref[...])
    v_ref[...] = _dot_t(x, wv_ref[...])


def _qkv(x, wq, wk, wv):
    return pl.pallas_call(
        _qkv_body,
        grid=(S // _TBQ,),
        in_specs=[
            pl.BlockSpec((_TBQ, H), lambda i: (i, 0)),
            pl.BlockSpec((H, H), lambda i: (0, 0)),
            pl.BlockSpec((KD, H), lambda i: (0, 0)),
            pl.BlockSpec((KD, H), lambda i: (0, 0)),
        ],
        out_specs=[
            pl.BlockSpec((_TBQ, H), lambda i: (i, 0)),
            pl.BlockSpec((_TBQ, KD), lambda i: (i, 0)),
            pl.BlockSpec((_TBQ, KD), lambda i: (i, 0)),
        ],
        out_shape=[
            jax.ShapeDtypeStruct((S, H), jnp.float32),
            jax.ShapeDtypeStruct((S, KD), jnp.float32),
            jax.ShapeDtypeStruct((S, KD), jnp.float32),
        ],
        compiler_params=_CP,
    )(x, wq, wk, wv)


def _attn_apply_body(v_ref, rs_ref, wo_ref, a_ref):
    v = v_ref[...]
    vt = jnp.concatenate([v[:, (j // G) * HD:(j // G) * HD + HD]
                          for j in range(NH)], axis=1)
    attn_out = vt * rs_ref[...]
    a_ref[...] = _dot_t(attn_out, wo_ref[...])


def _attn_apply(v, rs_e, wo):
    return pl.pallas_call(
        _attn_apply_body,
        grid=(1,),
        in_specs=[
            pl.BlockSpec((S, KD), lambda i: (0, 0)),
            pl.BlockSpec((S, H), lambda i: (0, 0)),
            pl.BlockSpec((H, H), lambda i: (0, 0)),
        ],
        out_specs=pl.BlockSpec((S, H), lambda i: (0, 0)),
        out_shape=jax.ShapeDtypeStruct((S, H), jnp.float32),
        compiler_params=_CP,
    )(v, rs_e, wo)


_NBL = 2048


def _logits_body(h_ref, w_ref, o_ref):
    o_ref[...] = _dot_t(h_ref[...], w_ref[...])


def _logits(h, w_out):
    return pl.pallas_call(
        _logits_body,
        grid=(V // _NBL,),
        in_specs=[
            pl.BlockSpec((S, H), lambda n: (0, 0)),
            pl.BlockSpec((_NBL, H), lambda n: (n, 0)),
        ],
        out_specs=pl.BlockSpec((S, _NBL), lambda n: (0, n)),
        out_shape=jax.ShapeDtypeStruct((S, V), jnp.float32),
        compiler_params=_CP,
    )(h, w_out)


_TBK = 256


def _topk_body(l_ref, vals_ref, idx_ref):
    l = l_ref[...]
    cols = lax.broadcasted_iota(jnp.int32, (_TBK, V), 1)
    vals = []
    idxs = []
    for _ in range(TOPK):
        m = jnp.max(l, axis=1, keepdims=True)
        am = jnp.min(jnp.where(l == m, cols, V), axis=1, keepdims=True)
        vals.append(m)
        idxs.append(am)
        l = jnp.where(cols == am, -jnp.inf, l)
    vals_ref[...] = jnp.concatenate(vals, axis=1)
    idx_ref[...] = jnp.concatenate(idxs, axis=1)


def _topk(logits):
    return pl.pallas_call(
        _topk_body,
        grid=(S // _TBK,),
        in_specs=[pl.BlockSpec((_TBK, V), lambda t: (t, 0))],
        out_specs=[
            pl.BlockSpec((_TBK, TOPK), lambda t: (t, 0)),
            pl.BlockSpec((_TBK, TOPK), lambda t: (t, 0)),
        ],
        out_shape=[
            jax.ShapeDtypeStruct((S, TOPK), jnp.float32),
            jax.ShapeDtypeStruct((S, TOPK), jnp.int32),
        ],
        compiler_params=_CP,
    )(logits)


def _rowsum(q, k):
    qh = q.reshape(B, S, KVH, G, HD).transpose(0, 2, 3, 1, 4)
    kh = k.reshape(B, S, KVH, HD).transpose(0, 2, 1, 3)
    scores = jnp.einsum('bhgsd,bhqd->bhgsq', qh, kh) / (HD ** 0.5)
    attn = jax.nn.softmax(scores, axis=-1)
    rowsum = jnp.sum(attn, axis=-1)
    rs2 = rowsum[0].transpose(2, 0, 1).reshape(S, NH)
    return jnp.repeat(rs2, HD, axis=1)


def kernel(input_ids, top_k, embed_table, Wq, Wk, Wv, Wo, Wg, Wu, Wd, W_out):
    del top_k
    ids = input_ids.reshape(S).astype(jnp.int32)
    h = _sc_gather(embed_table, ids)
    for layer in range(L):
        q, k, v = _qkv(h, Wq[layer], Wk[layer], Wv[layer])
        q_b, k_b = lax.optimization_barrier((q, k))
        rs_e = lax.optimization_barrier(_rowsum(q_b, k_b))
        a = _attn_apply(v, rs_e, Wo[layer])
        gate = a @ Wg[layer].T
        up = a @ Wu[layer].T
        mlp = jax.nn.silu(gate) * up
        h = mlp @ Wd[layer].T
    logits = _logits(h, W_out)
    vals, idx = _topk(logits)
    return vals.reshape(1, S, TOPK), idx.reshape(1, S, TOPK)

# --- scband reference (transcript-rebuilt; emitter-appended) ---
"""Pipeline reference for scband-matrix-model-4226247819521 (READ-ONLY COPY).

The authoritative reference and input builder live on the scoring server;
editing this copy changes nothing except your own understanding.
"""

import jax, jax.numpy as jnp
import numpy as np

V = 8192
H = 1024
L = 2
NH = 16
KVH = 4
KD = 256
I = 4096
B = 1
S = 2048
TOPK = 8


def setup_inputs(seed: int = 0) -> dict:
    key = jax.random.key(seed)
    ks = jax.random.split(key, 12)
    scale = 0.02
    inp = {}
    inp["input_ids"] = jax.random.randint(ks[0], (B, S), 0, V)
    inp["top_k"] = TOPK
    inp["embed_table"] = jax.random.normal(ks[1], (V, H), jnp.float32) * scale
    inp["Wq"] = jax.random.normal(ks[2], (L, H, H), jnp.float32) * scale
    inp["Wk"] = jax.random.normal(ks[3], (L, KD, H), jnp.float32) * scale
    inp["Wv"] = jax.random.normal(ks[4], (L, KD, H), jnp.float32) * scale
    inp["Wo"] = jax.random.normal(ks[5], (L, H, H), jnp.float32) * scale
    inp["Wg"] = jax.random.normal(ks[6], (L, I, H), jnp.float32) * scale
    inp["Wu"] = jax.random.normal(ks[7], (L, I, H), jnp.float32) * scale
    inp["Wd"] = jax.random.normal(ks[8], (L, H, I), jnp.float32) * scale
    inp["W_out"] = jax.random.normal(ks[9], (V, H), jnp.float32) * scale
    return inp


def reference(input_ids, top_k, embed_table, Wq, Wk, Wv, Wo, Wg, Wu, Wd, W_out):
    head_dim = H // NH
    key_head_dim = KD // KVH
    g = NH // KVH
    # blockwise embedding lookup == plain row gather over the concatenated blocks
    hidden = jnp.take(embed_table, input_ids, axis=0)  # [B, S, H]
    for l in range(L):
        q = hidden @ Wq[l].T  # [B, S, H]
        k = hidden @ Wk[l].T  # [B, S, KD]
        v = hidden @ Wv[l].T  # [B, S, KD]
        q = q.reshape(B, S, KVH, g, head_dim).transpose(0, 2, 3, 1, 4)  # [B,KVH,g,S,hd]
        k = k.reshape(B, S, KVH, key_head_dim).transpose(0, 2, 1, 3)    # [B,KVH,S,khd]
        v = v.reshape(B, S, KVH, key_head_dim).transpose(0, 2, 1, 3)    # [B,KVH,S,khd]
        scores = jnp.einsum('bhgsd,bhqd->bhgsq', q, k) / (head_dim ** 0.5)
        attn = jax.nn.softmax(scores, axis=-1)
        v_exp = jnp.broadcast_to(v[:, :, None, :, :], (B, KVH, g, S, key_head_dim))
        # faithful to the original einsum (sums attn over q, elementwise with v)
        attn_out = jnp.einsum('bhgsq,bhgsd->bhgsd', attn, v_exp)
        attn_out = attn_out.transpose(0, 3, 1, 2, 4).reshape(B, S, H)
        hidden = attn_out @ Wo[l].T
        gate = hidden @ Wg[l].T
        up = hidden @ Wu[l].T
        mlp = jax.nn.silu(gate) * up
        hidden = mlp @ Wd[l].T
    # output projection with top-k coarse routing over the first 2 blocks (4096*2 rows)
    coarse_logits = hidden @ W_out[: 4096 * 2].T  # [B, S, 8192]
    coarse_logits = coarse_logits + jnp.zeros((), coarse_logits.dtype) * jnp.asarray(top_k, coarse_logits.dtype)
    coarse_vals, coarse_idx = jax.lax.top_k(coarse_logits, TOPK)  # [B, S, k]
    sel_rows = jnp.take(W_out, coarse_idx, axis=0)  # [B, S, k, H]
    output = jnp.einsum('bsh,bskh->bsk', hidden, sel_rows)  # [B, S, k]
    return output, coarse_idx

if __name__ == "__main__":
    import jax
    _d = setup_inputs()
    print(jax.jit(kernel)(*tuple(_d.values())))

</pallas_src>

<mosaic_0001>
#map = affine_map<(d0, d1) -> (0, 0)>
#map1 = affine_map<(d0, d1) -> (0)>
module attributes {stable_mosaic.version = 14 : i64} {
  func.func @gather_kernel(%arg0: i32, %arg1: i32, %arg2: memref<8192x1024xf32, #tpu.memory_space<hbm>>, %arg3: memref<2048xi32, #tpu.memory_space<hbm>>, %arg4: memref<2048x1024xf32, #tpu.memory_space<hbm>>, %arg5: memref<64xi32, #tpu.memory_space<vmem>>, %arg6: memref<64x1024xf32, #tpu.memory_space<vmem>>, %arg7: memref<!tpu.dma_semaphore, #tpu.memory_space<semaphore_mem>>) attributes {dimension_semantics = [#tpu.dimension_semantics<core_parallel>, #tpu.dimension_semantics<subcore_parallel>], iteration_bounds = array<i64: 2, 16>, scalar_prefetch = 0 : i64, scratch_operands = 3 : i64, tpu.core_type = #tpu.core_type<sc_vector_subcore>, window_params = [{transform_indices = #map}, {transform_indices = #map1}, {transform_indices = #map}]} {
    %mul3A = arith.constant 2 : i32
    %mul3A_0 = arith.muli %arg1, %mul3A : i32
    %add3A = arith.addi %mul3A_0, %arg0 : i32
    %mul3A_1 = arith.constant 64 : i32
    %mul3A_2 = arith.muli %add3A, %mul3A_1 : i32
    "tpu.region"() ({
      %run_scoped3A = tpu.sem_alloc : memref<!tpu.dma_semaphore, #tpu.memory_space<semaphore_mem>>
      %dma_start3A_7 = tpu.memref_slice %arg3[%mul3A_2] : memref<2048xi32, #tpu.memory_space<hbm>> -> memref<64xi32, #tpu.memory_space<hbm>>
      %dma_start3A_8 = tpu.memref_slice %arg3[%mul3A_2] : memref<2048xi32, #tpu.memory_space<hbm>> -> memref<64xi32, #tpu.memory_space<hbm>>
      tpu.enqueue_dma source(%dma_start3A_8 : memref<64xi32, #tpu.memory_space<hbm>>) target(%arg5 : memref<64xi32, #tpu.memory_space<vmem>>) target_semaphore(%run_scoped3A : memref<!tpu.dma_semaphore, #tpu.memory_space<semaphore_mem>>)
      %dma_wait3A_9 = tpu.memref_slice %arg3[%mul3A_2] : memref<2048xi32, #tpu.memory_space<hbm>> -> memref<64xi32, #tpu.memory_space<hbm>>
      %dma_wait3A_10 = tpu.memref_slice %arg3[%mul3A_2] : memref<2048xi32, #tpu.memory_space<hbm>> -> memref<64xi32, #tpu.memory_space<hbm>>
      tpu.wait_dma2 semaphore(%run_scoped3A : memref<!tpu.dma_semaphore, #tpu.memory_space<semaphore_mem>>) src(%dma_wait3A_10 : memref<64xi32, #tpu.memory_space<hbm>>) dst(%arg5 : memref<64xi32, #tpu.memory_space<vmem>>)
      tpu.yield
    }) : () -> ()
    %dma_start3A = arith.constant 0 : i32
    %dma_start3A_3 = arith.constant 0 : i32
    %dma_start3A_4 = tpu.memref_slice %arg2[%dma_start3A, %dma_start3A_3] : memref<8192x1024xf32, #tpu.memory_space<hbm>> -> memref<8192x1024xf32, #tpu.memory_space<hbm>>
    tpu.enqueue_indirect_dma source(%dma_start3A_4 : memref<8192x1024xf32, #tpu.memory_space<hbm>>) target(%arg6 : memref<64x1024xf32, #tpu.memory_space<vmem>>) offsets(%arg5 : memref<64xi32, #tpu.memory_space<vmem>>) semaphore(%arg7 : memref<!tpu.dma_semaphore, #tpu.memory_space<semaphore_mem>>)
    %dma_wait3A = arith.constant 0 : i32
    %dma_wait3A_5 = arith.constant 0 : i32
    %dma_wait3A_6 = tpu.memref_slice %arg2[%dma_wait3A, %dma_wait3A_5] : memref<8192x1024xf32, #tpu.memory_space<hbm>> -> memref<8192x1024xf32, #tpu.memory_space<hbm>>
    tpu.wait_indirect_dma semaphore(%arg7 : memref<!tpu.dma_semaphore, #tpu.memory_space<semaphore_mem>>) src(%dma_wait3A_6 : memref<8192x1024xf32, #tpu.memory_space<hbm>>) dst(%arg6 : memref<64x1024xf32, #tpu.memory_space<vmem>>)
    "tpu.region"() ({
      %run_scoped3A = tpu.sem_alloc : memref<!tpu.dma_semaphore, #tpu.memory_space<semaphore_mem>>
      %dma_start3A_7 = arith.constant 0 : i32
      %dma_start3A_8 = tpu.memref_slice %arg4[%mul3A_2, %dma_start3A_7] : memref<2048x1024xf32, #tpu.memory_space<hbm>> -> memref<64x1024xf32, #tpu.memory_space<hbm>>
      %dma_start3A_9 = arith.constant 0 : i32
      %dma_start3A_10 = tpu.memref_slice %arg4[%mul3A_2, %dma_start3A_9] : memref<2048x1024xf32, #tpu.memory_space<hbm>> -> memref<64x1024xf32, #tpu.memory_space<hbm>>
      tpu.enqueue_dma source(%arg6 : memref<64x1024xf32, #tpu.memory_space<vmem>>) target(%dma_start3A_10 : memref<64x1024xf32, #tpu.memory_space<hbm>>) target_semaphore(%run_scoped3A : memref<!tpu.dma_semaphore, #tpu.memory_space<semaphore_mem>>)
      %dma_wait3A_11 = arith.constant 0 : i32
      %dma_wait3A_12 = tpu.memref_slice %arg4[%mul3A_2, %dma_wait3A_11] : memref<2048x1024xf32, #tpu.memory_space<hbm>> -> memref<64x1024xf32, #tpu.memory_space<hbm>>
      %dma_wait3A_13 = arith.constant 0 : i32
      %dma_wait3A_14 = tpu.memref_slice %arg4[%mul3A_2, %dma_wait3A_13] : memref<2048x1024xf32, #tpu.memory_space<hbm>> -> memref<64x1024xf32, #tpu.memory_space<hbm>>
      tpu.wait_dma2 semaphore(%run_scoped3A : memref<!tpu.dma_semaphore, #tpu.memory_space<semaphore_mem>>) src(%arg6 : memref<64x1024xf32, #tpu.memory_space<vmem>>) dst(%dma_wait3A_14 : memref<64x1024xf32, #tpu.memory_space<hbm>>)
      tpu.yield
    }) : () -> ()
    return
  }
}

module attributes {stable_mosaic.version = 14 : i64} {
  func.func @_qkv_body(%arg0: i32, %arg1: memref<256x1024xf32, #tpu.memory_space<vmem>>, %arg2: memref<1024x1024xf32, #tpu.memory_space<vmem>>, %arg3: memref<256x1024xf32, #tpu.memory_space<vmem>>, %arg4: memref<256x1024xf32, #tpu.memory_space<vmem>>, %arg5: memref<256x1024xf32, #tpu.memory_space<vmem>>, %arg6: memref<256x256xf32, #tpu.memory_space<vmem>>, %arg7: memref<256x256xf32, #tpu.memory_space<vmem>>) attributes {dimension_semantics = [#tpu.dimension_semantics<arbitrary>], iteration_bounds = array<i64: 8>, scalar_prefetch = 0 : i64, scratch_operands = 0 : i64, tpu.core_type = #tpu.core_type<tc>, window_params = [{transform_indices = @transform_0, window_bounds = array<i64: 256, 1024>}, {pipeline_mode = #tpu.pipeline_mode<synchronous>, transform_indices = @transform_1, window_bounds = array<i64: 1024, 1024>}, {pipeline_mode = #tpu.pipeline_mode<synchronous>, transform_indices = @transform_2, window_bounds = array<i64: 256, 1024>}, {pipeline_mode = #tpu.pipeline_mode<synchronous>, transform_indices = @transform_3, window_bounds = array<i64: 256, 1024>}, {transform_indices = @transform_4, window_bounds = array<i64: 256, 1024>}, {transform_indices = @transform_5, window_bounds = array<i64: 256, 256>}, {transform_indices = @transform_6, window_bounds = array<i64: 256, 256>}]} {
    %get3A = arith.constant 0 : index
    %get3A_0 = arith.constant 0 : index
    %get3A_1 = vector.load %arg1[%get3A, %get3A_0] : memref<256x1024xf32, #tpu.memory_space<vmem>>, vector<256x1024xf32>
    %get3A_2 = arith.constant 0 : index
    %get3A_3 = arith.constant 0 : index
    %get3A_4 = vector.load %arg2[%get3A_2, %get3A_3] : memref<1024x1024xf32, #tpu.memory_space<vmem>>, vector<1024x1024xf32>
    %convert_element_type3A = arith.truncf %get3A_1 : vector<256x1024xf32> to vector<256x1024xbf16>
    %convert_element_type3A_5 = arith.truncf %get3A_4 : vector<1024x1024xf32> to vector<1024x1024xbf16>
    %dot_general3A = arith.constant dense<0.000000e+00> : vector<256x1024xf32>
    %dot_general3A_6 = tpu.matmul %convert_element_type3A, %convert_element_type3A_5, %dot_general3A {dimension_numbers = #tpu.dot_dimension_numbers<[1], [1], [0], [0], [0, 0, 1, 0], [], []>, transpose_lhs_hint = false} : vector<256x1024xbf16>, vector<1024x1024xbf16>, vector<256x1024xf32> -> vector<256x1024xf32>
    %swap3A = arith.constant 0 : index
    %swap3A_7 = arith.constant 0 : index
    %swap3A_8 = vector.load %arg5[%swap3A, %swap3A_7] : memref<256x1024xf32, #tpu.memory_space<vmem>>, vector<256x1024xf32>
    tpu.vector_store %arg5[%swap3A, %swap3A_7], %dot_general3A_6 {strides = array<i32>} : memref<256x1024xf32, #tpu.memory_space<vmem>>, vector<256x1024xf32>,
    %get3A_9 = arith.constant 0 : index
    %get3A_10 = arith.constant 0 : index
    %get3A_11 = vector.load %arg3[%get3A_9, %get3A_10] : memref<256x1024xf32, #tpu.memory_space<vmem>>, vector<256x1024xf32>
    %convert_element_type3A_12 = arith.truncf %get3A_1 : vector<256x1024xf32> to vector<256x1024xbf16>
    %convert_element_type3A_13 = arith.truncf %get3A_11 : vector<256x1024xf32> to vector<256x1024xbf16>
    %dot_general3A_14 = arith.constant dense<0.000000e+00> : vector<256x256xf32>
    %dot_general3A_15 = tpu.matmul %convert_element_type3A_12, %convert_element_type3A_13, %dot_general3A_14 {dimension_numbers = #tpu.dot_dimension_numbers<[1], [1], [0], [0], [0, 0, 1, 0], [], []>, transpose_lhs_hint = false} : vector<256x1024xbf16>, vector<256x1024xbf16>, vector<256x256xf32> -> vector<256x256xf32>
    %swap3A_16 = arith.constant 0 : index
    %swap3A_17 = arith.constant 0 : index
    %swap3A_18 = vector.load %arg6[%swap3A_16, %swap3A_17] : memref<256x256xf32, #tpu.memory_space<vmem>>, vector<256x256xf32>
    tpu.vector_store %arg6[%swap3A_16, %swap3A_17], %dot_general3A_15 {strides = array<i32>} : memref<256x256xf32, #tpu.memory_space<vmem>>, vector<256x256xf32>,
    %get3A_19 = arith.constant 0 : index
    %get3A_20 = arith.constant 0 : index
    %get3A_21 = vector.load %arg4[%get3A_19, %get3A_20] : memref<256x1024xf32, #tpu.memory_space<vmem>>, vector<256x1024xf32>
    %convert_element_type3A_22 = arith.truncf %get3A_1 : vector<256x1024xf32> to vector<256x1024xbf16>
    %convert_element_type3A_23 = arith.truncf %get3A_21 : vector<256x1024xf32> to vector<256x1024xbf16>
    %dot_general3A_24 = arith.constant dense<0.000000e+00> : vector<256x256xf32>
    %dot_general3A_25 = tpu.matmul %convert_element_type3A_22, %convert_element_type3A_23, %dot_general3A_24 {dimension_numbers = #tpu.dot_dimension_numbers<[1], [1], [0], [0], [0, 0, 1, 0], [], []>, transpose_lhs_hint = false} : vector<256x1024xbf16>, vector<256x1024xbf16>, vector<256x256xf32> -> vector<256x256xf32>
    %swap3A_26 = arith.constant 0 : index
    %swap3A_27 = arith.constant 0 : index
    %swap3A_28 = vector.load %arg7[%swap3A_26, %swap3A_27] : memref<256x256xf32, #tpu.memory_space<vmem>>, vector<256x256xf32>
    tpu.vector_store %arg7[%swap3A_26, %swap3A_27], %dot_general3A_25 {strides = array<i32>} : memref<256x256xf32, #tpu.memory_space<vmem>>, vector<256x256xf32>,
    return
  }
  func.func @transform_0(%arg0: i32) -> (i32, i32) {
    %c0_i32 = arith.constant 0 : i32
    %c0_i32_0 = arith.constant 0 : i32
    return %arg0, %c0_i32 : i32, i32
  }
  func.func @transform_1(%arg0: i32) -> (i32, i32) {
    %c0_i32 = arith.constant 0 : i32
    %c0_i32_0 = arith.constant 0 : i32
    %c0_i32_1 = arith.constant 0 : i32
    return %c0_i32, %c0_i32_0 : i32, i32
  }
  func.func @transform_2(%arg0: i32) -> (i32, i32) {
    %c0_i32 = arith.constant 0 : i32
    %c0_i32_0 = arith.constant 0 : i32
    %c0_i32_1 = arith.constant 0 : i32
    return %c0_i32, %c0_i32_0 : i32, i32
  }
  func.func @transform_3(%arg0: i32) -> (i32, i32) {
    %c0_i32 = arith.constant 0 : i32
    %c0_i32_0 = arith.constant 0 : i32
    %c0_i32_1 = arith.constant 0 : i32
    return %c0_i32, %c0_i32_0 : i32, i32
  }
  func.func @transform_4(%arg0: i32) -> (i32, i32) {
    %c0_i32 = arith.constant 0 : i32
    %c0_i32_0 = arith.constant 0 : i32
    return %arg0, %c0_i32 : i32, i32
  }
  func.func @transform_5(%arg0: i32) -> (i32, i32) {
    %c0_i32 = arith.constant 0 : i32
    %c0_i32_0 = arith.constant 0 : i32
    return %arg0, %c0_i32 : i32, i32
  }
  func.func @transform_6(%arg0: i32) -> (i32, i32) {
    %c0_i32 = arith.constant 0 : i32
    %c0_i32_0 = arith.constant 0 : i32
    return %arg0, %c0_i32 : i32, i32
  }
}

module attributes {stable_mosaic.version = 14 : i64} {
  func.func @_attn_apply_body(%arg0: i32, %arg1: memref<2048x256xf32, #tpu.memory_space<vmem>>, %arg2: memref<2048x1024xf32, #tpu.memory_space<vmem>>, %arg3: memref<1024x1024xf32, #tpu.memory_space<vmem>>, %arg4: memref<2048x1024xf32, #tpu.memory_space<vmem>>) attributes {dimension_semantics = [#tpu.dimension_semantics<arbitrary>], iteration_bounds = array<i64: 1>, scalar_prefetch = 0 : i64, scratch_operands = 0 : i64, tpu.core_type = #tpu.core_type<tc>, window_params = [{pipeline_mode = #tpu.pipeline_mode<synchronous>, transform_indices = @transform_0, window_bounds = array<i64: 2048, 256>}, {pipeline_mode = #tpu.pipeline_mode<synchronous>, transform_indices = @transform_1, window_bounds = array<i64: 2048, 1024>}, {pipeline_mode = #tpu.pipeline_mode<synchronous>, transform_indices = @transform_2, window_bounds = array<i64: 1024, 1024>}, {pipeline_mode = #tpu.pipeline_mode<synchronous>, transform_indices = @transform_3, window_bounds = array<i64: 2048, 1024>}]} {
    %get3A = arith.constant 0 : index
    %get3A_0 = arith.constant 0 : index
    %get3A_1 = vector.load %arg1[%get3A, %get3A_0] : memref<2048x256xf32, #tpu.memory_space<vmem>>, vector<2048x256xf32>
    %slice3A = vector.extract_strided_slice %get3A_1 {offsets = [0, 0], sizes = [2048, 64], strides = [1, 1]} : vector<2048x256xf32> to vector<2048x64xf32>
    %slice3A_2 = vector.extract_strided_slice %get3A_1 {offsets = [0, 0], sizes = [2048, 64], strides = [1, 1]} : vector<2048x256xf32> to vector<2048x64xf32>
    %slice3A_3 = vector.extract_strided_slice %get3A_1 {offsets = [0, 0], sizes = [2048, 64], strides = [1, 1]} : vector<2048x256xf32> to vector<2048x64xf32>
    %slice3A_4 = vector.extract_strided_slice %get3A_1 {offsets = [0, 0], sizes = [2048, 64], strides = [1, 1]} : vector<2048x256xf32> to vector<2048x64xf32>
    %slice3A_5 = vector.extract_strided_slice %get3A_1 {offsets = [0, 64], sizes = [2048, 64], strides = [1, 1]} : vector<2048x256xf32> to vector<2048x64xf32>
    %slice3A_6 = vector.extract_strided_slice %get3A_1 {offsets = [0, 64], sizes = [2048, 64], strides = [1, 1]} : vector<2048x256xf32> to vector<2048x64xf32>
    %slice3A_7 = vector.extract_strided_slice %get3A_1 {offsets = [0, 64], sizes = [2048, 64], strides = [1, 1]} : vector<2048x256xf32> to vector<2048x64xf32>
    %slice3A_8 = vector.extract_strided_slice %get3A_1 {offsets = [0, 64], sizes = [2048, 64], strides = [1, 1]} : vector<2048x256xf32> to vector<2048x64xf32>
    %slice3A_9 = vector.extract_strided_slice %get3A_1 {offsets = [0, 128], sizes = [2048, 64], strides = [1, 1]} : vector<2048x256xf32> to vector<2048x64xf32>
    %slice3A_10 = vector.extract_strided_slice %get3A_1 {offsets = [0, 128], sizes = [2048, 64], strides = [1, 1]} : vector<2048x256xf32> to vector<2048x64xf32>
    %slice3A_11 = vector.extract_strided_slice %get3A_1 {offsets = [0, 128], sizes = [2048, 64], strides = [1, 1]} : vector<2048x256xf32> to vector<2048x64xf32>
    %slice3A_12 = vector.extract_strided_slice %get3A_1 {offsets = [0, 128], sizes = [2048, 64], strides = [1, 1]} : vector<2048x256xf32> to vector<2048x64xf32>
    %slice3A_13 = vector.extract_strided_slice %get3A_1 {offsets = [0, 192], sizes = [2048, 64], strides = [1, 1]} : vector<2048x256xf32> to vector<2048x64xf32>
    %slice3A_14 = vector.extract_strided_slice %get3A_1 {offsets = [0, 192], sizes = [2048, 64], strides = [1, 1]} : vector<2048x256xf32> to vector<2048x64xf32>
    %slice3A_15 = vector.extract_strided_slice %get3A_1 {offsets = [0, 192], sizes = [2048, 64], strides = [1, 1]} : vector<2048x256xf32> to vector<2048x64xf32>
    %slice3A_16 = vector.extract_strided_slice %get3A_1 {offsets = [0, 192], sizes = [2048, 64], strides = [1, 1]} : vector<2048x256xf32> to vector<2048x64xf32>
    %concatenate3A = tpu.concatenate %slice3A, %slice3A_2, %slice3A_3, %slice3A_4, %slice3A_5, %slice3A_6, %slice3A_7, %slice3A_8, %slice3A_9, %slice3A_10, %slice3A_11, %slice3A_12, %slice3A_13, %slice3A_14, %slice3A_15, %slice3A_16 in 1 : vector<2048x64xf32>, vector<2048x64xf32>, vector<2048x64xf32>, vector<2048x64xf32>, vector<2048x64xf32>, vector<2048x64xf32>, vector<2048x64xf32>, vector<2048x64xf32>, vector<2048x64xf32>, vector<2048x64xf32>, vector<2048x64xf32>, vector<2048x64xf32>, vector<2048x64xf32>, vector<2048x64xf32>, vector<2048x64xf32>, vector<2048x64xf32> -> vector<2048x1024xf32>
    %get3A_17 = arith.constant 0 : index
    %get3A_18 = arith.constant 0 : index
    %get3A_19 = vector.load %arg2[%get3A_17, %get3A_18] : memref<2048x1024xf32, #tpu.memory_space<vmem>>, vector<2048x1024xf32>
    %mul3A = arith.mulf %concatenate3A, %get3A_19 : vector<2048x1024xf32>
    %get3A_20 = arith.constant 0 : index
    %get3A_21 = arith.constant 0 : index
    %get3A_22 = vector.load %arg3[%get3A_20, %get3A_21] : memref<1024x1024xf32, #tpu.memory_space<vmem>>, vector<1024x1024xf32>
    %convert_element_type3A = arith.truncf %mul3A : vector<2048x1024xf32> to vector<2048x1024xbf16>
    %convert_element_type3A_23 = arith.truncf %get3A_22 : vector<1024x1024xf32> to vector<1024x1024xbf16>
    %dot_general3A = arith.constant dense<0.000000e+00> : vector<2048x1024xf32>
    %dot_general3A_24 = tpu.matmul %convert_element_type3A, %convert_element_type3A_23, %dot_general3A {dimension_numbers = #tpu.dot_dimension_numbers<[1], [1], [0], [0], [0, 0, 1, 0], [], []>, transpose_lhs_hint = false} : vector<2048x1024xbf16>, vector<1024x1024xbf16>, vector<2048x1024xf32> -> vector<2048x1024xf32>
    %swap3A = arith.constant 0 : index
    %swap3A_25 = arith.constant 0 : index
    %swap3A_26 = vector.load %arg4[%swap3A, %swap3A_25] : memref<2048x1024xf32, #tpu.memory_space<vmem>>, vector<2048x1024xf32>
    tpu.vector_store %arg4[%swap3A, %swap3A_25], %dot_general3A_24 {strides = array<i32>} : memref<2048x1024xf32, #tpu.memory_space<vmem>>, vector<2048x1024xf32>,
    return
  }
  func.func @transform_0(%arg0: i32) -> (i32, i32) {
    %c0_i32 = arith.constant 0 : i32
    %c0_i32_0 = arith.constant 0 : i32
    %c0_i32_1 = arith.constant 0 : i32
    return %c0_i32, %c0_i32_0 : i32, i32
  }
  func.func @transform_1(%arg0: i32) -> (i32, i32) {
    %c0_i32 = arith.constant 0 : i32
    %c0_i32_0 = arith.constant 0 : i32
    %c0_i32_1 = arith.constant 0 : i32
    return %c0_i32, %c0_i32_0 : i32, i32
  }
  func.func @transform_2(%arg0: i32) -> (i32, i32) {
    %c0_i32 = arith.constant 0 : i32
    %c0_i32_0 = arith.constant 0 : i32
    %c0_i32_1 = arith.constant 0 : i32
    return %c0_i32, %c0_i32_0 : i32, i32
  }
  func.func @transform_3(%arg0: i32) -> (i32, i32) {
    %c0_i32 = arith.constant 0 : i32
    %c0_i32_0 = arith.constant 0 : i32
    %c0_i32_1 = arith.constant 0 : i32
    return %c0_i32, %c0_i32_0 : i32, i32
  }
}

module attributes {stable_mosaic.version = 14 : i64} {
  func.func @_logits_body(%arg0: i32, %arg1: memref<2048x1024xf32, #tpu.memory_space<vmem>>, %arg2: memref<2048x1024xf32, #tpu.memory_space<vmem>>, %arg3: memref<2048x2048xf32, #tpu.memory_space<vmem>>) attributes {dimension_semantics = [#tpu.dimension_semantics<arbitrary>], iteration_bounds = array<i64: 4>, scalar_prefetch = 0 : i64, scratch_operands = 0 : i64, tpu.core_type = #tpu.core_type<tc>, window_params = [{pipeline_mode = #tpu.pipeline_mode<synchronous>, transform_indices = @transform_0, window_bounds = array<i64: 2048, 1024>}, {transform_indices = @transform_1, window_bounds = array<i64: 2048, 1024>}, {transform_indices = @transform_2, window_bounds = array<i64: 2048, 2048>}]} {
    %get3A = arith.constant 0 : index
    %get3A_0 = arith.constant 0 : index
    %get3A_1 = vector.load %arg1[%get3A, %get3A_0] : memref<2048x1024xf32, #tpu.memory_space<vmem>>, vector<2048x1024xf32>
    %get3A_2 = arith.constant 0 : index
    %get3A_3 = arith.constant 0 : index
    %get3A_4 = vector.load %arg2[%get3A_2, %get3A_3] : memref<2048x1024xf32, #tpu.memory_space<vmem>>, vector<2048x1024xf32>
    %convert_element_type3A = arith.truncf %get3A_1 : vector<2048x1024xf32> to vector<2048x1024xbf16>
    %convert_element_type3A_5 = arith.truncf %get3A_4 : vector<2048x1024xf32> to vector<2048x1024xbf16>
    %dot_general3A = arith.constant dense<0.000000e+00> : vector<2048x2048xf32>
    %dot_general3A_6 = tpu.matmul %convert_element_type3A, %convert_element_type3A_5, %dot_general3A {dimension_numbers = #tpu.dot_dimension_numbers<[1], [1], [0], [0], [0, 0, 1, 0], [], []>, transpose_lhs_hint = false} : vector<2048x1024xbf16>, vector<2048x1024xbf16>, vector<2048x2048xf32> -> vector<2048x2048xf32>
    %swap3A = arith.constant 0 : index
    %swap3A_7 = arith.constant 0 : index
    %swap3A_8 = vector.load %arg3[%swap3A, %swap3A_7] : memref<2048x2048xf32, #tpu.memory_space<vmem>>, vector<2048x2048xf32>
    tpu.vector_store %arg3[%swap3A, %swap3A_7], %dot_general3A_6 {strides = array<i32>} : memref<2048x2048xf32, #tpu.memory_space<vmem>>, vector<2048x2048xf32>,
    return
  }
  func.func @transform_0(%arg0: i32) -> (i32, i32) {
    %c0_i32 = arith.constant 0 : i32
    %c0_i32_0 = arith.constant 0 : i32
    %c0_i32_1 = arith.constant 0 : i32
    return %c0_i32, %c0_i32_0 : i32, i32
  }
  func.func @transform_1(%arg0: i32) -> (i32, i32) {
    %c0_i32 = arith.constant 0 : i32
    %c0_i32_0 = arith.constant 0 : i32
    return %arg0, %c0_i32 : i32, i32
  }
  func.func @transform_2(%arg0: i32) -> (i32, i32) {
    %c0_i32 = arith.constant 0 : i32
    %c0_i32_0 = arith.constant 0 : i32
    return %c0_i32, %arg0 : i32, i32
  }
}

module attributes {stable_mosaic.version = 14 : i64} {
  func.func @_topk_body(%arg0: i32, %arg1: memref<256x8192xf32, #tpu.memory_space<vmem>>, %arg2: memref<256x8xf32, #tpu.memory_space<vmem>>, %arg3: memref<256x8xi32, #tpu.memory_space<vmem>>) attributes {dimension_semantics = [#tpu.dimension_semantics<arbitrary>], iteration_bounds = array<i64: 8>, scalar_prefetch = 0 : i64, scratch_operands = 0 : i64, tpu.core_type = #tpu.core_type<tc>, window_params = [{transform_indices = @transform_0, window_bounds = array<i64: 256, 8192>}, {transform_indices = @transform_1, window_bounds = array<i64: 256, 8>}, {transform_indices = @transform_2, window_bounds = array<i64: 256, 8>}]} {
    %get3A = arith.constant 0 : index
    %get3A_0 = arith.constant 0 : index
    %get3A_1 = vector.load %arg1[%get3A, %get3A_0] : memref<256x8192xf32, #tpu.memory_space<vmem>>, vector<256x8192xf32>
    %iota3A = tpu.iota {dimensions = array<i32: 1>} : vector<256x8192xi32>
    %reduce_max3A = arith.constant dense<0xFF800000> : vector<256xf32>
    %reduce_max3A_2 = vector.multi_reduction <maximumf>, %get3A_1, %reduce_max3A [1] : vector<256x8192xf32> to vector<256xf32>
    %broadcast_in_dim3A = vector.shape_cast %reduce_max3A_2 : vector<256xf32> to vector<256x1xf32>
    %eq3A = vector.broadcast %broadcast_in_dim3A : vector<256x1xf32> to vector<256x8192xf32>
    %eq3A_3 = arith.cmpf oeq, %get3A_1, %eq3A : vector<256x8192xf32>
    %jit3A = arith.constant 8192 : i32
    %broadcast_in_dim3A_4 = vector.broadcast %jit3A : i32 to vector<256x8192xi32>
    %select_n3A = arith.select %eq3A_3, %iota3A, %broadcast_in_dim3A_4 : vector<256x8192xi1>, vector<256x8192xi32>
    %reduce_min3A = arith.constant dense<2147483647> : vector<256xi32>
    %reduce_min3A_5 = vector.multi_reduction <minsi>, %select_n3A, %reduce_min3A [1] : vector<256x8192xi32> to vector<256xi32>
    %broadcast_in_dim3A_6 = vector.shape_cast %reduce_min3A_5 : vector<256xi32> to vector<256x1xi32>
    %eq3A_7 = vector.broadcast %broadcast_in_dim3A_6 : vector<256x1xi32> to vector<256x8192xi32>
    %eq3A_8 = arith.cmpi eq, %iota3A, %eq3A_7 : vector<256x8192xi32>
    %jit3A_9 = arith.constant 0xFF800000 : f32
    %broadcast_in_dim3A_10 = vector.broadcast %jit3A_9 : f32 to vector<256x8192xf32>
    %select_n3A_11 = arith.select %eq3A_8, %broadcast_in_dim3A_10, %get3A_1 : vector<256x8192xi1>, vector<256x8192xf32>
    %reduce_max3A_12 = arith.constant dense<0xFF800000> : vector<256xf32>
    %reduce_max3A_13 = vector.multi_reduction <maximumf>, %select_n3A_11, %reduce_max3A_12 [1] : vector<256x8192xf32> to vector<256xf32>
    %broadcast_in_dim3A_14 = vector.shape_cast %reduce_max3A_13 : vector<256xf32> to vector<256x1xf32>
    %eq3A_15 = vector.broadcast %broadcast_in_dim3A_14 : vector<256x1xf32> to vector<256x8192xf32>
    %eq3A_16 = arith.cmpf oeq, %select_n3A_11, %eq3A_15 : vector<256x8192xf32>
    %jit3A_17 = arith.constant 8192 : i32
    %broadcast_in_dim3A_18 = vector.broadcast %jit3A_17 : i32 to vector<256x8192xi32>
    %select_n3A_19 = arith.select %eq3A_16, %iota3A, %broadcast_in_dim3A_18 : vector<256x8192xi1>, vector<256x8192xi32>
    %reduce_min3A_20 = arith.constant dense<2147483647> : vector<256xi32>
    %reduce_min3A_21 = vector.multi_reduction <minsi>, %select_n3A_19, %reduce_min3A_20 [1] : vector<256x8192xi32> to vector<256xi32>
    %broadcast_in_dim3A_22 = vector.shape_cast %reduce_min3A_21 : vector<256xi32> to vector<256x1xi32>
    %eq3A_23 = vector.broadcast %broadcast_in_dim3A_22 : vector<256x1xi32> to vector<256x8192xi32>
    %eq3A_24 = arith.cmpi eq, %iota3A, %eq3A_23 : vector<256x8192xi32>
    %jit3A_25 = arith.constant 0xFF800000 : f32
    %broadcast_in_dim3A_26 = vector.broadcast %jit3A_25 : f32 to vector<256x8192xf32>
    %select_n3A_27 = arith.select %eq3A_24, %broadcast_in_dim3A_26, %select_n3A_11 : vector<256x8192xi1>, vector<256x8192xf32>
    %reduce_max3A_28 = arith.constant dense<0xFF800000> : vector<256xf32>
    %reduce_max3A_29 = vector.multi_reduction <maximumf>, %select_n3A_27, %reduce_max3A_28 [1] : vector<256x8192xf32> to vector<256xf32>
    %broadcast_in_dim3A_30 = vector.shape_cast %reduce_max3A_29 : vector<256xf32> to vector<256x1xf32>
    %eq3A_31 = vector.broadcast %broadcast_in_dim3A_30 : vector<256x1xf32> to vector<256x8192xf32>
    %eq3A_32 = arith.cmpf oeq, %select_n3A_27, %eq3A_31 : vector<256x8192xf32>
    %jit3A_33 = arith.constant 8192 : i32
    %broadcast_in_dim3A_34 = vector.broadcast %jit3A_33 : i32 to vector<256x8192xi32>
    %select_n3A_35 = arith.select %eq3A_32, %iota3A, %broadcast_in_dim3A_34 : vector<256x8192xi1>, vector<256x8192xi32>
    %reduce_min3A_36 = arith.constant dense<2147483647> : vector<256xi32>
    %reduce_min3A_37 = vector.multi_reduction <minsi>, %select_n3A_35, %reduce_min3A_36 [1] : vector<256x8192xi32> to vector<256xi32>
    %broadcast_in_dim3A_38 = vector.shape_cast %reduce_min3A_37 : vector<256xi32> to vector<256x1xi32>
    %eq3A_39 = vector.broadcast %broadcast_in_dim3A_38 : vector<256x1xi32> to vector<256x8192xi32>
    %eq3A_40 = arith.cmpi eq, %iota3A, %eq3A_39 : vector<256x8192xi32>
    %jit3A_41 = arith.constant 0xFF800000 : f32
    %broadcast_in_dim3A_42 = vector.broadcast %jit3A_41 : f32 to vector<256x8192xf32>
    %select_n3A_43 = arith.select %eq3A_40, %broadcast_in_dim3A_42, %select_n3A_27 : vector<256x8192xi1>, vector<256x8192xf32>
    %reduce_max3A_44 = arith.constant dense<0xFF800000> : vector<256xf32>
    %reduce_max3A_45 = vector.multi_reduction <maximumf>, %select_n3A_43, %reduce_max3A_44 [1] : vector<256x8192xf32> to vector<256xf32>
    %broadcast_in_dim3A_46 = vector.shape_cast %reduce_max3A_45 : vector<256xf32> to vector<256x1xf32>
    %eq3A_47 = vector.broadcast %broadcast_in_dim3A_46 : vector<256x1xf32> to vector<256x8192xf32>
    %eq3A_48 = arith.cmpf oeq, %select_n3A_43, %eq3A_47 : vector<256x8192xf32>
    %jit3A_49 = arith.constant 8192 : i32
    %broadcast_in_dim3A_50 = vector.broadcast %jit3A_49 : i32 to vector<256x8192xi32>
    %select_n3A_51 = arith.select %eq3A_48, %iota3A, %broadcast_in_dim3A_50 : vector<256x8192xi1>, vector<256x8192xi32>
    %reduce_min3A_52 = arith.constant dense<2147483647> : vector<256xi32>
    %reduce_min3A_53 = vector.multi_reduction <minsi>, %select_n3A_51, %reduce_min3A_52 [1] : vector<256x8192xi32> to vector<256xi32>
    %broadcast_in_dim3A_54 = vector.shape_cast %reduce_min3A_53 : vector<256xi32> to vector<256x1xi32>
    %eq3A_55 = vector.broadcast %broadcast_in_dim3A_54 : vector<256x1xi32> to vector<256x8192xi32>
    %eq3A_56 = arith.cmpi eq, %iota3A, %eq3A_55 : vector<256x8192xi32>
    %jit3A_57 = arith.constant 0xFF800000 : f32
    %broadcast_in_dim3A_58 = vector.broadcast %jit3A_57 : f32 to vector<256x8192xf32>
    %select_n3A_59 = arith.select %eq3A_56, %broadcast_in_dim3A_58, %select_n3A_43 : vector<256x8192xi1>, vector<256x8192xf32>
    %reduce_max3A_60 = arith.constant dense<0xFF800000> : vector<256xf32>
    %reduce_max3A_61 = vector.multi_reduction <maximumf>, %select_n3A_59, %reduce_max3A_60 [1] : vector<256x8192xf32> to vector<256xf32>
    %broadcast_in_dim3A_62 = vector.shape_cast %reduce_max3A_61 : vector<256xf32> to vector<256x1xf32>
    %eq3A_63 = vector.broadcast %broadcast_in_dim3A_62 : vector<256x1xf32> to vector<256x8192xf32>
    %eq3A_64 = arith.cmpf oeq, %select_n3A_59, %eq3A_63 : vector<256x8192xf32>
    %jit3A_65 = arith.constant 8192 : i32
    %broadcast_in_dim3A_66 = vector.broadcast %jit3A_65 : i32 to vector<256x8192xi32>
    %select_n3A_67 = arith.select %eq3A_64, %iota3A, %broadcast_in_dim3A_66 : vector<256x8192xi1>, vector<256x8192xi32>
    %reduce_min3A_68 = arith.constant dense<2147483647> : vector<256xi32>
    %reduce_min3A_69 = vector.multi_reduction <minsi>, %select_n3A_67, %reduce_min3A_68 [1] : vector<256x8192xi32> to vector<256xi32>
    %broadcast_in_dim3A_70 = vector.shape_cast %reduce_min3A_69 : vector<256xi32> to vector<256x1xi32>
    %eq3A_71 = vector.broadcast %broadcast_in_dim3A_70 : vector<256x1xi32> to vector<256x8192xi32>
    %eq3A_72 = arith.cmpi eq, %iota3A, %eq3A_71 : vector<256x8192xi32>
    %jit3A_73 = arith.constant 0xFF800000 : f32
    %broadcast_in_dim3A_74 = vector.broadcast %jit3A_73 : f32 to vector<256x8192xf32>
    %select_n3A_75 = arith.select %eq3A_72, %broadcast_in_dim3A_74, %select_n3A_59 : vector<256x8192xi1>, vector<256x8192xf32>
    %reduce_max3A_76 = arith.constant dense<0xFF800000> : vector<256xf32>
    %reduce_max3A_77 = vector.multi_reduction <maximumf>, %select_n3A_75, %reduce_max3A_76 [1] : vector<256x8192xf32> to vector<256xf32>
    %broadcast_in_dim3A_78 = vector.shape_cast %reduce_max3A_77 : vector<256xf32> to vector<256x1xf32>
    %eq3A_79 = vector.broadcast %broadcast_in_dim3A_78 : vector<256x1xf32> to vector<256x8192xf32>
    %eq3A_80 = arith.cmpf oeq, %select_n3A_75, %eq3A_79 : vector<256x8192xf32>
    %jit3A_81 = arith.constant 8192 : i32
    %broadcast_in_dim3A_82 = vector.broadcast %jit3A_81 : i32 to vector<256x8192xi32>
    %select_n3A_83 = arith.select %eq3A_80, %iota3A, %broadcast_in_dim3A_82 : vector<256x8192xi1>, vector<256x8192xi32>
    %reduce_min3A_84 = arith.constant dense<2147483647> : vector<256xi32>
    %reduce_min3A_85 = vector.multi_reduction <minsi>, %select_n3A_83, %reduce_min3A_84 [1] : vector<256x8192xi32> to vector<256xi32>
    %broadcast_in_dim3A_86 = vector.shape_cast %reduce_min3A_85 : vector<256xi32> to vector<256x1xi32>
    %eq3A_87 = vector.broadcast %broadcast_in_dim3A_86 : vector<256x1xi32> to vector<256x8192xi32>
    %eq3A_88 = arith.cmpi eq, %iota3A, %eq3A_87 : vector<256x8192xi32>
    %jit3A_89 = arith.constant 0xFF800000 : f32
    %broadcast_in_dim3A_90 = vector.broadcast %jit3A_89 : f32 to vector<256x8192xf32>
    %select_n3A_91 = arith.select %eq3A_88, %broadcast_in_dim3A_90, %select_n3A_75 : vector<256x8192xi1>, vector<256x8192xf32>
    %reduce_max3A_92 = arith.constant dense<0xFF800000> : vector<256xf32>
    %reduce_max3A_93 = vector.multi_reduction <maximumf>, %select_n3A_91, %reduce_max3A_92 [1] : vector<256x8192xf32> to vector<256xf32>
    %broadcast_in_dim3A_94 = vector.shape_cast %reduce_max3A_93 : vector<256xf32> to vector<256x1xf32>
    %eq3A_95 = vector.broadcast %broadcast_in_dim3A_94 : vector<256x1xf32> to vector<256x8192xf32>
    %eq3A_96 = arith.cmpf oeq, %select_n3A_91, %eq3A_95 : vector<256x8192xf32>
    %jit3A_97 = arith.constant 8192 : i32
    %broadcast_in_dim3A_98 = vector.broadcast %jit3A_97 : i32 to vector<256x8192xi32>
    %select_n3A_99 = arith.select %eq3A_96, %iota3A, %broadcast_in_dim3A_98 : vector<256x8192xi1>, vector<256x8192xi32>
    %reduce_min3A_100 = arith.constant dense<2147483647> : vector<256xi32>
    %reduce_min3A_101 = vector.multi_reduction <minsi>, %select_n3A_99, %reduce_min3A_100 [1] : vector<256x8192xi32> to vector<256xi32>
    %broadcast_in_dim3A_102 = vector.shape_cast %reduce_min3A_101 : vector<256xi32> to vector<256x1xi32>
    %eq3A_103 = vector.broadcast %broadcast_in_dim3A_102 : vector<256x1xi32> to vector<256x8192xi32>
    %eq3A_104 = arith.cmpi eq, %iota3A, %eq3A_103 : vector<256x8192xi32>
    %jit3A_105 = arith.constant 0xFF800000 : f32
    %broadcast_in_dim3A_106 = vector.broadcast %jit3A_105 : f32 to vector<256x8192xf32>
    %select_n3A_107 = arith.select %eq3A_104, %broadcast_in_dim3A_106, %select_n3A_91 : vector<256x8192xi1>, vector<256x8192xf32>
    %reduce_max3A_108 = arith.constant dense<0xFF800000> : vector<256xf32>
    %reduce_max3A_109 = vector.multi_reduction <maximumf>, %select_n3A_107, %reduce_max3A_108 [1] : vector<256x8192xf32> to vector<256xf32>
    %broadcast_in_dim3A_110 = vector.shape_cast %reduce_max3A_109 : vector<256xf32> to vector<256x1xf32>
    %eq3A_111 = vector.broadcast %broadcast_in_dim3A_110 : vector<256x1xf32> to vector<256x8192xf32>
    %eq3A_112 = arith.cmpf oeq, %select_n3A_107, %eq3A_111 : vector<256x8192xf32>
    %jit3A_113 = arith.constant 8192 : i32
    %broadcast_in_dim3A_114 = vector.broadcast %jit3A_113 : i32 to vector<256x8192xi32>
    %select_n3A_115 = arith.select %eq3A_112, %iota3A, %broadcast_in_dim3A_114 : vector<256x8192xi1>, vector<256x8192xi32>
    %reduce_min3A_116 = arith.constant dense<2147483647> : vector<256xi32>
    %reduce_min3A_117 = vector.multi_reduction <minsi>, %select_n3A_115, %reduce_min3A_116 [1] : vector<256x8192xi32> to vector<256xi32>
    %broadcast_in_dim3A_118 = vector.shape_cast %reduce_min3A_117 : vector<256xi32> to vector<256x1xi32>
    %concatenate3A = tpu.concatenate %broadcast_in_dim3A, %broadcast_in_dim3A_14, %broadcast_in_dim3A_30, %broadcast_in_dim3A_46, %broadcast_in_dim3A_62, %broadcast_in_dim3A_78, %broadcast_in_dim3A_94, %broadcast_in_dim3A_110 in 1 : vector<256x1xf32>, vector<256x1xf32>, vector<256x1xf32>, vector<256x1xf32>, vector<256x1xf32>, vector<256x1xf32>, vector<256x1xf32>, vector<256x1xf32> -> vector<256x8xf32>
    %swap3A = arith.constant 0 : index
    %swap3A_119 = arith.constant 0 : index
    %swap3A_120 = vector.load %arg2[%swap3A, %swap3A_119] : memref<256x8xf32, #tpu.memory_space<vmem>>, vector<256x8xf32>
    tpu.vector_store %arg2[%swap3A, %swap3A_119], %concatenate3A {strides = array<i32>} : memref<256x8xf32, #tpu.memory_space<vmem>>, vector<256x8xf32>,
    %concatenate3A_121 = tpu.concatenate %broadcast_in_dim3A_6, %broadcast_in_dim3A_22, %broadcast_in_dim3A_38, %broadcast_in_dim3A_54, %broadcast_in_dim3A_70, %broadcast_in_dim3A_86, %broadcast_in_dim3A_102, %broadcast_in_dim3A_118 in 1 : vector<256x1xi32>, vector<256x1xi32>, vector<256x1xi32>, vector<256x1xi32>, vector<256x1xi32>, vector<256x1xi32>, vector<256x1xi32>, vector<256x1xi32> -> vector<256x8xi32>
    %swap3A_122 = arith.constant 0 : index
    %swap3A_123 = arith.constant 0 : index
    %swap3A_124 = vector.load %arg3[%swap3A_122, %swap3A_123] : memref<256x8xi32, #tpu.memory_space<vmem>>, vector<256x8xi32>
    tpu.vector_store %arg3[%swap3A_122, %swap3A_123], %concatenate3A_121 {strides = array<i32>} : memref<256x8xi32, #tpu.memory_space<vmem>>, vector<256x8xi32>,
    return
  }
  func.func @transform_0(%arg0: i32) -> (i32, i32) {
    %c0_i32 = arith.constant 0 : i32
    %c0_i32_0 = arith.constant 0 : i32
    return %arg0, %c0_i32 : i32, i32
  }
  func.func @transform_1(%arg0: i32) -> (i32, i32) {
    %c0_i32 = arith.constant 0 : i32
    %c0_i32_0 = arith.constant 0 : i32
    return %arg0, %c0_i32 : i32, i32
  }
  func.func @transform_2(%arg0: i32) -> (i32, i32) {
    %c0_i32 = arith.constant 0 : i32
    %c0_i32_0 = arith.constant 0 : i32
    return %arg0, %c0_i32 : i32, i32
  }
}

</mosaic_0001>

<sc_bundles>
// kernel: kernel.9.cloned.1.call-start
scs
__scs_entry_jumppad:
0x0: {  	(pc) =	sbr.rel $0x88, $3  }
0x1: {  	(tag) =	ssettag $0x0;
	lr =	simm.s32 $0x1  }
0x2: {  	[smem:$0x3F97] =	sst lr;
	_ =	strace $0xD0000000  }
0x3: {  	_ = 	snop  }
0x4: {  	_ = 	snop  }
0x5: {  	_ = 	snop  }
0x6: {  	_ = 	snop  }
0x7: {  	_ = 	snop  }
__scs_overlays_trampoline_lowered:
0x8: {  	[smem:$0x3FA6] =	sst s0  }
0x9: {  	[smem:$0x3FA7] =	sst s1  }
0xa: {  	[smem:$0x3FA8] =	sst s2  }
0xb: {  	[smem:$0x3FA9] =	sst s3  }
0xc: {  	[smem:$0x3FAA] =	sst s4  }
0xd: {  	[smem:$0x3FAB] =	sst s5  }
0xe: {  	[smem:$0x3FAC] =	sst s6  }
0xf: {  	[smem:$0x3FAD] =	sst s7  }
0x10: {  	[smem:$0x3FAE] =	sst s8  }
0x11: {  	[smem:$0x3FAF] =	sst s9;
	s0 =	simm.s32 @!p0 $0x0  }
0x12: {  	s1 =	sld [smem:$0x3F95];
	s0 =	simm.s32 @p0 $0x1  }
0x13: {  	[smem:$0x3FB0] =	sst s0;
	s0 =	simm.s32 @!p1 $0x0  }
0x14: {  	s2 =	sld [smem:$0x3F94];
	s0 =	simm.s32 @p1 $0x1  }
0x15: {  	[smem:$0x3FB1] =	sst s0;
	s0 =	simm.s32 @!p2 $0x0  }
0x16: {  	s3 =	sld [smem:$0x3FDB];
	s0 =	simm.s32 @p2 $0x1  }
0x17: {  	s4 =	simm.s32 $0x1BF5;
	[smem:$0x3FB3] =	sst s0  }
0x18: {  	s0 =	sld [smem:$0x3F96];
	_ =	swait.ge [sflag:s4], $0x0  }
0x19: {  	s7 =	sld [smem:$0x3F97]  }
0x1a: {  	s8 =	sadd.s32 $0xFFFFE003, lr  }
0x1b: {  	s9 =	sadd.s32 $0xFFFFFEF7, lr;
	s5 =	simm.s32 $0xFFFFFFFF;
	p2 =	slt.u32 s8, $0xFFFFF086  }
0x1c: {  	p1 =	slt.u32 s9, $0xF7A;
	s5 =	simm.s32 @!p2 $0x0  }
0x1d: {  	s5 =	simm.s32 @p1 $0x1;
	p0 =	seq.s32 s7, s2  }
0x1e: {  	s7 =	smul.u32 @!p0 $0xF7A, s2;
	p2 =	seq.s32 @!p0 s5, $0x0  }
0x1f: {  	s9 =	smul.u32 $0xF7A, s1;
	s8 =	simm.s32 @!p0 $0x1BF5;
	p2 =	por !p2, p0  }
0x20: {  	[sflag:s8] =	ssyncset.s32 @!p0 $0xFFFFF086;
	s6 =	sadd.s32 @!p0 s3, s7;
	s7 =	simm.s32 @!p0 $0x108  }
0x21: {  	s3 =	sadd.s32 s3, s9;
	s6 =	sadd.s32 @!p0 $0x88, s6;
	s7 =	simm.s32 @p2 $0x1082  }
0x22: {  	[simem:s7], [sflag:s8] =	dma.local @!p0 [hbm:s6], $0xF7A  }
0x23: {  	s9 =	sor.u32 $0xD0000000, s2;
	s6 =	simm.s32 $0x108;
	_ =	swait.ge @!p0 [sflag:s8], $0x0  }
0x24: {  	s3 =	sadd.s32 $0x88, s3;
	s6 =	simm.s32 @!p1 $0x1082;
	[sflag:s4] =	ssyncset.s32 $0xFFFFF086  }
0x25: {  	[simem:s6], [sflag:s4] =	dma.local [hbm:s3], $0xF7A  }
0x26: {  	[smem:$0x3F97] =	sst s1;
	(tag) =	ssettag s2;
	_ =	strace s9  }
0x27: {  	s1 =	sld [smem:$0x3FA7]  }
0x28: {  	s2 =	sld [smem:$0x3FA8]  }
0x29: {  	s4 =	sld [smem:$0x3FAA]  }
0x2a: {  	p0 =	seq.s32 s5, $0x0;
	s5 =	sld [smem:$0x3FAB]  }
0x2b: {  	s6 =	sld [smem:$0x3FAC]  }
0x2c: {  	s7 =	sld [smem:$0x3FAD]  }
0x2d: {  	s3 =	simm.s32 $0x108;
	s8 =	sld [smem:$0x3FAE]  }
0x2e: {  	s3 =	simm.s32 @!p0 $0x1082;
	s9 =	sld [smem:$0x3FAF]  }
0x2f: {  	lr =	sadd.s32 s0, s3;
	s0 =	sld [smem:$0x3FA6]  }
0x30: {  	s3 =	sld [smem:$0x3FA9]  }
0x31: {  	[smem:$0x3FB2] =	sst s10  }
0x32: {  	s10 =	sld [smem:$0x3FB0];
	_ =	sdelay $0x3  }
0x33: {  	p0 =	seq.s32 s10, $0x1;
	s10 =	sld [smem:$0x3FB2];
	_ =	sdelay $0x3  }
0x34: {  	[smem:$0x3FB2] =	sst s10  }
0x35: {  	s10 =	sld [smem:$0x3FB1];
	_ =	sdelay $0x3  }
0x36: {  	p1 =	seq.s32 s10, $0x1;
	s10 =	sld [smem:$0x3FB2];
	_ =	sdelay $0x3  }
0x37: {  	[smem:$0x3FB2] =	sst s10  }
0x38: {  	s10 =	sld [smem:$0x3FB3]  }
0x39: {  	_ = 	snop;
	(pc) =	sbr.ind lr, $3  }
0x3a: {  	_ = 	snop  }
0x3b: {  	_ = 	snop  }
0x3c: {  	p2 =	seq.s32 s10, $0x1;
	s10 =	sld [smem:$0x3FB2]  }
0x3d: {  	_ =	shalt  }
0x3e: {  	_ =	shalt  }
0x3f: {  	_ =	shalt  }
0x40: {  	_ =	shalt  }
0x41: {  	_ =	shalt  }
0x42: {  	_ =	shalt  }
0x43: {  	_ =	shalt  }
0x44: {  	_ =	shalt  }
0x45: {  	_ =	shalt  }
0x46: {  	_ =	shalt  }
0x47: {  	_ =	shalt  }
0x48: {  	_ =	shalt  }
0x49: {  	_ =	shalt  }
0x4a: {  	_ =	shalt  }
0x4b: {  	_ =	shalt  }
0x4c: {  	_ =	shalt  }
0x4d: {  	_ =	shalt  }
0x4e: {  	_ =	shalt  }
0x4f: {  	_ =	shalt  }
0x50: {  	_ =	shalt  }
0x51: {  	_ =	shalt  }
0x52: {  	_ =	shalt  }
0x53: {  	_ =	shalt  }
0x54: {  	_ =	shalt  }
0x55: {  	_ =	shalt  }
0x56: {  	_ =	shalt  }
0x57: {  	_ =	shalt  }
0x58: {  	_ =	shalt  }
0x59: {  	_ =	shalt  }
0x5a: {  	_ =	shalt  }
0x5b: {  	_ =	shalt  }
0x5c: {  	_ =	shalt  }
0x5d: {  	_ =	shalt  }
0x5e: {  	_ =	shalt  }
0x5f: {  	_ =	shalt  }
0x60: {  	_ =	shalt  }
0x61: {  	_ =	shalt  }
0x62: {  	_ =	shalt  }
0x63: {  	_ =	shalt  }
0x64: {  	_ =	shalt  }
0x65: {  	_ =	shalt  }
0x66: {  	_ =	shalt  }
0x67: {  	_ =	shalt  }
0x68: {  	_ =	shalt  }
0x69: {  	_ =	shalt  }
0x6a: {  	_ =	shalt  }
0x6b: {  	_ =	shalt  }
0x6c: {  	_ =	shalt  }
0x6d: {  	_ =	shalt  }
0x6e: {  	_ =	shalt  }
0x6f: {  	_ =	shalt  }
0x70: {  	_ =	shalt  }
0x71: {  	_ =	shalt  }
0x72: {  	_ =	shalt  }
0x73: {  	_ =	shalt  }
0x74: {  	_ =	shalt  }
0x75: {  	_ =	shalt  }
0x76: {  	_ =	shalt  }
0x77: {  	_ =	shalt  }
0x78: {  	_ =	shalt  }
0x79: {  	_ =	shalt  }
0x7a: {  	_ =	shalt  }
0x7b: {  	_ =	shalt  }
0x7c: {  	_ =	shalt  }
0x7d: {  	_ =	shalt  }
0x7e: {  	_ =	shalt  }
0x7f: {  	_ =	shalt  }
0x80: {  	_ =	shalt  }
0x81: {  	_ =	shalt  }
0x82: {  	_ =	shalt  }
0x83: {  	_ =	shalt  }
0x84: {  	_ =	shalt  }
0x85: {  	_ =	shalt  }
0x86: {  	_ =	shalt  }
0x87: {  	_ =	shalt  }
.Lfunc_end0:
.L_simem_size_0:
called_computation_lowered:
.L_overlay_start_0:
0x88: {  	s2 =	sld [smem:$0x3FD9]  }
0x89: {  	s3 =	sld [smem:$0x3FFE];
	_ =	sdelay $0x1  }
0x8a: {  	s1 =	srdreg.scid  }
0x8b: {  	s0 =	sand.u32 $0x1, s1  }
0x8c: {  	s17 =	sshll.u32 s0, $0xA;
	s2 =	sadd.s32 s3, s2  }
0x8d: {  	s2 =	sadd.s32 s2, s17  }
0x8e: {  	[smem:$0x3FBE] =	sst s2  }
0x8f: {  	_ = 	snop  }
0x90: {  	s2 =	sld [smem:$0x3FC9]  }
0x91: {  	s18 =	sld [smem:$0x3FC8];
	(tm) =	ssettm $0x1  }
0x92: {  	s4 =	sld [smem:$0x3FFB];
	_ =	sdelay $0x3  }
0x93: {  	_ =	strace s4  }
0x94: {  	s4 =	sld [smem:$0x3FFC];
	_ =	sdelay $0x3  }
0x95: {  	_ =	strace s4  }
0x96: {  	s4 =	sld [smem:$0x3FFD];
	_ =	sdelay $0x3  }
0x97: {  	_ =	strace s4  }
0x98: {  	_ =	strace $0x8FFFFFFF  }
0x99: {  	s19 =	sld [smem:$0x3FDB];
	_ =	sdelay $0x1  }
0x9a: {  	s5 =	simm.s32 $_scs_section_size  }
0x9b: {  	s6 =	simm.s32 $_size__tile_overlayer_lowered;
	s7 =	simm.s32 $_tile_overlayer_lowered  }
0x9c: {  	s22 =	simm.s32 $0x1BFF;
	s21 =	sshll.u32 s7, $0x1;
	s4 =	sadd.s32 s5, s19  }
0x9d: {  	s8 =	simm.s32 $0x0;
	s20 =	sshll.u32 s6, $0x1;
	s6 =	sadd.s32 s21, s4  }
0x9e: {  	[timem:s8], [sflag:s22] =	dma.local [hbm:s6], s20  }
0x9f: {  	_ =	swait.ge [sflag:s22], s20  }
0xa0: {  	s5 =	ssub.s32 $0x0, s20;
	[sflag:s22] =	ssyncset.done $0x0  }
0xa1: {  	[sflag:s22] =	ssyncadd.s32 s5;
	_ =	sdelay $0x1  }
0xa2: {  	s23 =	simm.s32 $0x1B8B  }
0xa3: {  	_ =	swait.ge [sflag:s23], $0x1  }
0xa4: {  	[sflag:s23] =	ssyncset.done $0x0  }
0xa5: {  	s25 =	simm.s32 $0x1B8E;
	s24 =	sld [smem:$0x3FFE];
	[sflag:s23] =	ssyncadd.s32 $0xFFFFFFFF  }
0xa6: {  	s26 =	simm.s32 $execute0_lowered;
	[smem:$0x3FD2] =	sst s25  }
0xa7: {  	s6 =	sshll.u32 s26, $0x1;
	_ =	strace $0x80000046;
	[dreg:$0x1] =	wrdreg $0xFFFFFFFF  }
0xa8: {  	s28 =	simm.s32 $_size_execute0_lowered;
	s4 =	sadd.s32 s4, s6;
	[dreg:$0x0] =	wrdreg $0x0  }
0xa9: {  	s6 =	sshll.u32 s28, $0x1;
	[dreg:$0x2] =	wrdreg s4  }
0xaa: {  	[dreg:$0x3] =	wrdreg s6  }
0xab: {  	[dreg:$0x4] =	wrdreg $0xC0  }
0xac: {  	_ =	task [dreg:s8], $0x5FFFF  }
0xad: {  	[dreg:$0x1] =	wrdreg $0xFFFFFFFF  }
0xae: {  	[dreg:$0x0] =	wrdreg $0x60  }
0xaf: {  	[dreg:$0x2] =	wrdreg s18  }
0xb0: {  	[dreg:$0x3] =	wrdreg s2  }
0xb1: {  	[dreg:$0x4] =	wrdreg s24  }
0xb2: {  	[dreg:$0x5] =	wrdreg $0x9  }
0xb3: {  	_ =	task.clear_ibuf [dreg:s8], $0x6FFFF;
	_ =	strace $0x90000046  }
0xb4: {  	s29 =	simm.s32 $0x9;
	_ =	strace $0x80000048  }
0xb5: {  	_ =	swait.ge [sflag:s29], $0x1  }
0xb6: {  	[sflag:s29] =	ssyncadd.s32 $0xFFFFFFFF  }
0xb7: {  	_ =	strace $0x90000048  }
0xb8: {  	_ =	sfence  }
0xb9: {  	s30 =	sld [smem:$0x0];
	_ =	sdelay $0x2  }
0xba: {  	s31 =	sshll.u32 s1, $0xD;
	s1 =	sshrl.u32 s1, $0x2  }
0xbb: {  	s3 =	sand.u32 $0x4000, s31;
	s1 =	sadd.s32 s1, s30  }
0xbc: {  	s0 =	sor.u32 s3, s0;
	s1 =	sshll.u32 s1, $0x11  }
0xbd: {  	s0 =	sor.u32 s1, s0  }
0xbe: {  	s0 =	sadd.s32 $0x8F2B, s0  }
0xbf: {  	[sflag:s0] =	ssyncadd.remote.s32 $0x1  }
0xc0: {  	_ =	sfence.sel $0xFFFF  }
0xc1: {  	[dreg:$0x0] =	wrdreg $0xFFFFFFFF;
	(pc) =	sbr.abs _section_cstart, $3  }
0xc2: {  	[dreg:$0x1] =	wrdreg $0xFFFFFFFF  }
0xc3: {  	_ =	task.clear_ibuf [dreg:s8], $0x2FFFF;
	_ =	strace $0x9FFFFFFF  }
0xc4: {  	(tm) =	ssettm $0x7FFFFFFF  }
0xc5: {  	_ =	shalt  }
tec
execute0_lowered:
.L_overlay_start_1:
0x0: {  	(tag) =	ssettag $0x1  }
0x1: {  	s1 =	rddreg [dreg:$0x0]  }
0x2: {  	s2 =	srdreg.scid;
	s4 =	rddreg [dreg:$0x1]  }
0x3: {  	s0 =	stileid.u32;
	s5 =	rddreg [dreg:$0x2]  }
0x4: {  	s3 =	simm.s32 $0x0;
	s17 =	simm.s32 $0x880;
	s18 =	simm.s32 $0x1080  }
0x5: {  	s19 =	simm.s32 $0x1880;
	s21 =	simm.s32 $0x2080;
	s22 =	simm.s32 $0x2880  }
0x6: {  	s23 =	simm.s32 $0x3080;
	s24 =	simm.s32 $0x3880;
	[smem:$0x7FF] =	sst s3  }
0x7: {  	s8 =	simm.s32 $0x4080;
	_ =	strace $0x80000047;
	[dreg:$0x6] =	wrdreg s17  }
0x8: {  	s25 =	simm.s32 $0x4880;
	s26 =	simm.s32 $0x5080;
	[dreg:$0x7] =	wrdreg s18  }
0x9: {  	s9 =	simm.s32 $0x80;
	s11 =	simm.s32 $0x6080;
	[dreg:$0x8] =	wrdreg s19  }
0xa: {  	s12 =	simm.s32 $0x6880;
	s13 =	simm.s32 $0x7080;
	[dreg:$0x9] =	wrdreg s21  }
0xb: {  	s14 =	simm.s32 $0x7880;
	s15 =	simm.s32 $0x8080;
	[dreg:$0xa] =	wrdreg s22  }
0xc: {  	s28 =	simm.s32 $0xE080;
	s29 =	simm.s32 $0xE880;
	[dreg:$0xb] =	wrdreg s23  }
0xd: {  	s30 =	simm.s32 $0xF080;
	s31 =	simm.s32 $0xF880;
	[dreg:$0xc] =	wrdreg s24  }
0xe: {  	s2 =	sand.u32 $0x1, s2;
	s6 =	sshll.u32 s0, $0x7;
	[dreg:$0xd] =	wrdreg s8  }
0xf: {  	s7 =	sshll.u32 s2, $0x6;
	s2 =	ssub.s32 $0x2, s2;
	[dreg:$0xe] =	wrdreg s25  }
0x10: {  	s8 =	simm.s32 $0x2;
	[dreg:$0xf] =	wrdreg s26;
	s17 =	simm.s32 $0x9080  }
0x11: {  	s18 =	simm.s32 $0x9880;
	s19 =	simm.s32 $0xA080;
	s21 =	simm.s32 $0xB080  }
0x12: {  	s22 =	simm.s32 $0xB880;
	s23 =	simm.s32 $0xC080;
	s24 =	simm.s32 $0xC880  }
0x13: {  	s25 =	simm.s32 $0xD080;
	s26 =	simm.s32 $0xD880;
	s6 =	sor.u32 s7, s6  }
0x14: {  	s20 =	sshrl.u32 s2, $0x1;
	s7 =	sshrl.u32 s6, $0x3;
	s6 =	sshll.u32 s6, $0x7  }
0x15: {  	s2 =	ssub.s32 s2, s20;
	s20 =	simm.s32 $0xA880;
	s4 =	sadd.s32 s4, s7  }
0x16: {  	v2 =	vlaneseq.u32;
	s16 =	sadd.s32 s5, s6;
	s5 =	sadd.s32 $0x200, s1;
	s6 =	sadd.s32 $0x300, s1  }
0x17: {  	vm0 =	vmmov $0xffff;
	v1 =	vshrl.u32 v2, $0x3;
	s7 =	smax.u32 s2, $0x1;
	s2 =	simm.s32 $0x1;
	[dreg:$0x4] =	wrdreg s4  }
0x18: {  	v0 =	vand.u32 $0x7, v2;
	v2 =	vor.u32 $0x8, v2;
	v1 =	vmul.u32 $0x8, v1;
	[dreg:$0x5] =	wrdreg s16;
	s4 =	sadd.s32 $0x100, s1;
	s16 =	simm.s32 $0x8880  }
.LBB2_1:
0x19: {  	s0 =	rddreg [dreg:$0x4]  }
0x1a: {  	[tilespmem:s3], [sflag:$0x2] =	stream.linear.gather [hbm4b:s0+s3], $0x40, $0x38;
	[tilespmem:$0x10080] =	vst v63  }
0x1b: {  	_ =	swait.ge [sflag:s8], $0x40  }
0x1c: {  	[sflag:s8] =	ssyncset.done $0x0  }
0x1d: {  	[sflag:s8] =	ssyncadd.s32 $0xFFFFFFC0  }
0x1e: {  	v3 =	vld [tilespmem:$0x0];
	_ =	sdelay $0x4  }
0x1f: {  	v4 =	vshll.u32 v3, $0x3  }
0x20: {  	v3 =	vand.u32 $0x7, v3;
	v4 =	vand.u32 $0xFFFFFFC0, v4  }
0x21: {  	v3 =	vor.u32 v3, v4  }
0x22: {  	v4 =	vperm.xlane v3, v0;
	_ =	sdelay $0x1  }
0x23: {  	v4 =	vadd.s32 v1, v4;
	_ =	sdelay $0x4  }
0x24: {  	[tilespmem:s9], [sflag:$0x1] =	stream.indirect_vreg.gather [hbm4b:s1+s3], $0x80, v4, vm0, $0xb8;
	[tilespmem:$0x10080] =	vst v63  }
0x25: {  	s0 =	rddreg [dreg:$0x6];
	v3 =	vperm.xlane v3, v2  }
0x26: {  	[tilespmem:s0], [sflag:$0x1] =	stream.indirect_vreg.gather [hbm4b:s4+s3], $0x80, v4, vm0, $0xb8;
	[tilespmem:$0x10080] =	vst v63  }
0x27: {  	s10 =	rddreg [dreg:$0x7];
	v3 =	vadd.s32 v1, v3  }
0x28: {  	[tilespmem:s10], [sflag:$0x1] =	stream.indirect_vreg.gather [hbm4b:s5+s3], $0x80, v4, vm0, $0xb8;
	[tilespmem:$0x10080] =	vst v63  }
0x29: {  	s0 =	rddreg [dreg:$0x8]  }
0x2a: {  	[tilespmem:s0], [sflag:$0x1] =	stream.indirect_vreg.gather [hbm4b:s6+s3], $0x80, v4, vm0, $0xb8;
	[tilespmem:$0x10080] =	vst v63  }
0x2b: {  	s10 =	rddreg [dreg:$0x9]  }
0x2c: {  	[tilespmem:s10], [sflag:$0x1] =	stream.indirect_vreg.gather [hbm4b:s1+s3], $0x80, v3, vm0, $0xb8;
	[tilespmem:$0x10080] =	vst v63  }
0x2d: {  	s0 =	rddreg [dreg:$0xa]  }
0x2e: {  	[tilespmem:s0], [sflag:$0x1] =	stream.indirect_vreg.gather [hbm4b:s4+s3], $0x80, v3, vm0, $0xb8;
	[tilespmem:$0x10080] =	vst v63  }
0x2f: {  	s10 =	rddreg [dreg:$0xb]  }
0x30: {  	[tilespmem:s10], [sflag:$0x1] =	stream.indirect_vreg.gather [hbm4b:s5+s3], $0x80, v3, vm0, $0xb8;
	[tilespmem:$0x10080] =	vst v63  }
0x31: {  	s0 =	rddreg [dreg:$0xc]  }
0x32: {  	[tilespmem:s0], [sflag:$0x1] =	stream.indirect_vreg.gather [hbm4b:s6+s3], $0x80, v3, vm0, $0xb8;
	[tilespmem:$0x10080] =	vst v63  }
0x33: {  	v3 =	vld [tilespmem:$0x10];
	_ =	sdelay $0x4  }
0x34: {  	v61 =	vshll.u32 v3, $0x3  }
0x35: {  	v3 =	vand.u32 $0x7, v3;
	v4 =	vand.u32 $0xFFFFFFC0, v61  }
0x36: {  	v3 =	vor.u32 v3, v4  }
0x37: {  	v4 =	vperm.xlane v3, v0;
	_ =	sdelay $0x1  }
0x38: {  	v4 =	vadd.s32 v1, v4;
	_ =	sdelay $0x3  }
0x39: {  	s0 =	rddreg [dreg:$0xd]  }
0x3a: {  	[tilespmem:s0], [sflag:$0x1] =	stream.indirect_vreg.gather [hbm4b:s1+s3], $0x80, v4, vm0, $0xb8;
	[tilespmem:$0x10080] =	vst v63  }
0x3b: {  	s10 =	rddreg [dreg:$0xe];
	v3 =	vperm.xlane v3, v2  }
0x3c: {  	[tilespmem:s10], [sflag:$0x1] =	stream.indirect_vreg.gather [hbm4b:s4+s3], $0x80, v4, vm0, $0xb8;
	[tilespmem:$0x10080] =	vst v63  }
0x3d: {  	v3 =	vadd.s32 v1, v3;
	s0 =	rddreg [dreg:$0xf]  }
0x3e: {  	[tilespmem:s0], [sflag:$0x1] =	stream.indirect_vreg.gather [hbm4b:s5+s3], $0x80, v4, vm0, $0xb8;
	[tilespmem:$0x10080] =	vst v63  }
0x3f: {  	s10 =	simm.s32 $0x5880  }
0x40: {  	[tilespmem:s10], [sflag:$0x1] =	stream.indirect_vreg.gather [hbm4b:s6+s3], $0x80, v4, vm0, $0xb8;
	[tilespmem:$0x10080] =	vst v63  }
0x41: {  	_ = 	snop  }
0x42: {  	[tilespmem:s11], [sflag:$0x1] =	stream.indirect_vreg.gather [hbm4b:s1+s3], $0x80, v3, vm0, $0xb8;
	[tilespmem:$0x10080] =	vst v63  }
0x43: {  	_ = 	snop  }
0x44: {  	[tilespmem:s12], [sflag:$0x1] =	stream.indirect_vreg.gather [hbm4b:s4+s3], $0x80, v3, vm0, $0xb8;
	[tilespmem:$0x10080] =	vst v63  }
0x45: {  	_ = 	snop  }
0x46: {  	[tilespmem:s13], [sflag:$0x1] =	stream.indirect_vreg.gather [hbm4b:s5+s3], $0x80, v3, vm0, $0xb8;
	[tilespmem:$0x10080] =	vst v63  }
0x47: {  	_ = 	snop  }
0x48: {  	[tilespmem:s14], [sflag:$0x1] =	stream.indirect_vreg.gather [hbm4b:s6+s3], $0x80, v3, vm0, $0xb8;
	[tilespmem:$0x10080] =	vst v63  }
0x49: {  	v3 =	vld [tilespmem:$0x20];
	_ =	sdelay $0x4  }
0x4a: {  	v62 =	vshll.u32 v3, $0x3  }
0x4b: {  	v3 =	vand.u32 $0x7, v3;
	v4 =	vand.u32 $0xFFFFFFC0, v62  }
0x4c: {  	v3 =	vor.u32 v3, v4  }
0x4d: {  	v4 =	vperm.xlane v3, v0;
	_ =	sdelay $0x1  }
0x4e: {  	v4 =	vadd.s32 v1, v4;
	_ =	sdelay $0x4  }
0x4f: {  	[tilespmem:s15], [sflag:$0x1] =	stream.indirect_vreg.gather [hbm4b:s1+s3], $0x80, v4, vm0, $0xb8;
	[tilespmem:$0x10080] =	vst v63  }
0x50: {  	v3 =	vperm.xlane v3, v2  }
0x51: {  	[tilespmem:s16], [sflag:$0x1] =	stream.indirect_vreg.gather [hbm4b:s4+s3], $0x80, v4, vm0, $0xb8;
	[tilespmem:$0x10080] =	vst v63  }
0x52: {  	v3 =	vadd.s32 v1, v3  }
0x53: {  	[tilespmem:s17], [sflag:$0x1] =	stream.indirect_vreg.gather [hbm4b:s5+s3], $0x80, v4, vm0, $0xb8;
	[tilespmem:$0x10080] =	vst v63  }
0x54: {  	_ = 	snop  }
0x55: {  	[tilespmem:s18], [sflag:$0x1] =	stream.indirect_vreg.gather [hbm4b:s6+s3], $0x80, v4, vm0, $0xb8;
	[tilespmem:$0x10080] =	vst v63  }
0x56: {  	_ = 	snop  }
0x57: {  	[tilespmem:s19], [sflag:$0x1] =	stream.indirect_vreg.gather [hbm4b:s1+s3], $0x80, v3, vm0, $0xb8;
	[tilespmem:$0x10080] =	vst v63  }
0x58: {  	_ = 	snop  }
0x59: {  	[tilespmem:s20], [sflag:$0x1] =	stream.indirect_vreg.gather [hbm4b:s4+s3], $0x80, v3, vm0, $0xb8;
	[tilespmem:$0x10080] =	vst v63  }
0x5a: {  	_ = 	snop  }
0x5b: {  	[tilespmem:s21], [sflag:$0x1] =	stream.indirect_vreg.gather [hbm4b:s5+s3], $0x80, v3, vm0, $0xb8;
	[tilespmem:$0x10080] =	vst v63  }
0x5c: {  	_ = 	snop  }
0x5d: {  	[tilespmem:s22], [sflag:$0x1] =	stream.indirect_vreg.gather [hbm4b:s6+s3], $0x80, v3, vm0, $0xb8;
	[tilespmem:$0x10080] =	vst v63  }
0x5e: {  	v3 =	vld [tilespmem:$0x30];
	_ =	sdelay $0x4  }
0x5f: {  	v63 =	vshll.u32 v3, $0x3  }
0x60: {  	v3 =	vand.u32 $0x7, v3;
	v4 =	vand.u32 $0xFFFFFFC0, v63  }
0x61: {  	v3 =	vor.u32 v3, v4  }
0x62: {  	v4 =	vperm.xlane v3, v0;
	_ =	sdelay $0x1  }
0x63: {  	v4 =	vadd.s32 v1, v4;
	_ =	sdelay $0x4  }
0x64: {  	[tilespmem:s23], [sflag:$0x1] =	stream.indirect_vreg.gather [hbm4b:s1+s3], $0x80, v4, vm0, $0xb8;
	[tilespmem:$0x10080] =	vst v63  }
0x65: {  	v3 =	vperm.xlane v3, v2  }
0x66: {  	[tilespmem:s24], [sflag:$0x1] =	stream.indirect_vreg.gather [hbm4b:s4+s3], $0x80, v4, vm0, $0xb8;
	[tilespmem:$0x10080] =	vst v63  }
0x67: {  	v3 =	vadd.s32 v1, v3  }
0x68: {  	[tilespmem:s25], [sflag:$0x1] =	stream.indirect_vreg.gather [hbm4b:s5+s3], $0x80, v4, vm0, $0xb8;
	[tilespmem:$0x10080] =	vst v63  }
0x69: {  	_ = 	snop  }
0x6a: {  	[tilespmem:s26], [sflag:$0x1] =	stream.indirect_vreg.gather [hbm4b:s6+s3], $0x80, v4, vm0, $0xb8;
	[tilespmem:$0x10080] =	vst v63  }
0x6b: {  	_ = 	snop  }
0x6c: {  	[tilespmem:s28], [sflag:$0x1] =	stream.indirect_vreg.gather [hbm4b:s1+s3], $0x80, v3, vm0, $0xb8;
	[tilespmem:$0x10080] =	vst v63  }
0x6d: {  	_ = 	snop  }
0x6e: {  	[tilespmem:s29], [sflag:$0x1] =	stream.indirect_vreg.gather [hbm4b:s4+s3], $0x80, v3, vm0, $0xb8;
	[tilespmem:$0x10080] =	vst v63  }
0x6f: {  	_ = 	snop  }
0x70: {  	[tilespmem:s30], [sflag:$0x1] =	stream.indirect_vreg.gather [hbm4b:s5+s3], $0x80, v3, vm0, $0xb8;
	[tilespmem:$0x10080] =	vst v63  }
0x71: {  	_ = 	snop  }
0x72: {  	[tilespmem:s31], [sflag:$0x1] =	stream.indirect_vreg.gather [hbm4b:s6+s3], $0x80, v3, vm0, $0xb8;
	[tilespmem:$0x10080] =	vst v63  }
0x73: {  	_ =	swait.ge [sflag:s2], $0x10000  }
0x74: {  	p0 =	sne.s32 s7, $0x1;
	[sflag:s2] =	ssyncset.done $0x0  }
.Ltmp0:
0x75: {  	s10 =	rddreg [dreg:$0x5];
	[sflag:s2] =	ssyncadd.s32 $0xFFFF0000;
	(pc) =	sbr.rel @p0 .LBB2_1-.Ltmp0, $4  }
0x76: {  	[hbm4b:s10+s3] =	stream.linear.scatter [tilespmem:s9], [sflag:$0x2], $0x10000, $0x38;
	[tilespmem:$0x10080] =	vst v63  }
0x77: {  	_ =	swait.ge [sflag:s8], $0x10000  }
0x78: {  	[sflag:s8] =	ssyncset.done $0x0  }
0x79: {  	s7 =	sadd.s32 $0xFFFFFFFF, s7;
	[sflag:s8] =	ssyncadd.s32 $0xFFFF0000  }
0x7a: {  	_ =	sfence.sel $0x180000  }
0x7b: {  	[bflag:$0x0] =	sbarrier.arrive $0xFFFF  }
0x7c: {  	_ =	strace $0x90000047  }
0x7d: {  	s0 =	stileid.u32;
	[bflag:$0x2] =	sbarrier.arrive $0xFFFF  }
0x7e: {  	p0 =	sne.s32 s0, $0x0;
	s0 =	rddreg [dreg:$0x3]  }
0x7f: {  	s0 =	sadd.s32 @!p0 $0x100000, s0  }
0x80: {  	[sflag:s0] =	ssyncadd.tile.s32 @!p0 $0x1;
	_ =	shalt  }
.Lfunc_end2:
_tile_overlayer_lowered:
.L_overlay_start_2:
0x81: {  	(tag) =	ssettag $0x2  }
0x82: {  	s0 =	rddreg [dreg:$0x0];
	s2 =	stileid.u32  }
0x83: {  	s1 =	rddreg [dreg:$0x1];
	p0 =	sne.s32 s2, $0x0  }
0x84: {  	s3 =	rddreg [dreg:$0x2];
	[bflag:$0x3] =	sbarrier.arrive $0xFFFF;
	s2 =	simm.s32 @!p0 $0x1C02  }
0x85: {  	[timem:s3], [sflag:s2] =	dma.local @!p0 [hbm:s0], s1  }
0x86: {  	s0 =	simm.s32 @!p0 $0x2  }
0x87: {  	_ =	swait.ge @!p0 [sflag:s0], s1  }
0x88: {  	s1 =	ssub.s32 @!p0 $0x0, s1;
	[sflag:s0] =	ssyncset.done @!p0 $0x0  }
0x89: {  	[sflag:s0] =	ssyncadd.s32 @!p0 s1  }
0x8a: {  	[bflag:$0x3] =	sbarrier.arrive $0xFFFF  }
0x8b: {  	_ =	shalt  }

</sc_bundles>
